<compile_context>
chip_gen: v7x
topology: tpu7x:2x2x1
jax: 0.10.2.dev20260603
libtpu: 0.0.44.dev20260713+nightly
codegen_flags: <defaults>
</compile_context>

<pallas_src>
import functools

import jax
import jax.numpy as jnp
from jax.experimental import pallas as pl
from jax.experimental.pallas import tpu as pltpu
from jax.experimental.pallas import tpu_sc as plsc

_BLK = 8192
_GATHER_PAD = 256


def _sc_gather(emb, idx_pad, n_ctx):
    num_cores = 2
    per_core = (n_ctx + num_cores - 1) // num_cores
    mesh = plsc.ScalarSubcoreMesh(axis_name="core", num_cores=num_cores)

    @functools.partial(
        pl.kernel,
        out_type=jax.ShapeDtypeStruct((_GATHER_PAD, emb.shape[1]), emb.dtype),
        mesh=mesh,
        scratch_types=[
            pltpu.SMEM((1, _GATHER_PAD), jnp.int32),
            pltpu.SemaphoreType.DMA,
            pltpu.SemaphoreType.DMA,
        ],
    )
    def gather_kernel(emb_hbm, idx_hbm, out_hbm, idx_smem, sem_i, sem_g):
        core = jax.lax.axis_index("core")
        pltpu.async_copy(idx_hbm, idx_smem, sem_i).wait()
        base = core * per_core
        hi = jnp.minimum(base + per_core, n_ctx)

        @pl.loop(0, per_core)
        def _(j):
            @pl.when(base + j < hi)
            def _():
                row = idx_smem[0, base + j]
                pltpu.make_async_copy(
                    emb_hbm.at[row], out_hbm.at[base + j], sem_g).start()

        @pl.loop(0, per_core)
        def _(j):
            @pl.when(base + j < hi)
            def _():
                row = idx_smem[0, base + j]
                pltpu.make_async_copy(
                    emb_hbm.at[row], out_hbm.at[base + j], sem_g).wait()

    return gather_kernel(emb, idx_pad)


def _fwd_body(n_ctx, vocab, n_blk,
              g_ref, w1_ref, b1_ref, w2_ref, b2_ref,
              logits_ref, norm_ref, h_ref, acc_ref):
    i = pl.program_id(0)

    @pl.when(i == 0)
    def _():
        g = g_ref[...]
        row = jax.lax.broadcasted_iota(jnp.int32, g.shape, 0)
        g = jnp.where(row < n_ctx, g, 0.0)
        embeds = jnp.sum(g, axis=0, keepdims=True)
        z = jax.lax.dot_general(embeds, w1_ref[...],
                                (((1,), (1,)), ((), ())),
                                preferred_element_type=jnp.float32)
        h_ref[...] = jnp.maximum(z + b1_ref[...], 0.0)
        acc_ref[0] = -jnp.inf
        acc_ref[1] = 0.0

    h = h_ref[...]
    raw = jax.lax.dot_general(h, w2_ref[...],
                              (((1,), (1,)), ((), ())),
                              preferred_element_type=jnp.float32)
    logits = raw.reshape(8, _BLK // 8) + b2_ref[...]
    logits_ref[...] = logits

    r = jax.lax.broadcasted_iota(jnp.int32, logits.shape, 0)
    c = jax.lax.broadcasted_iota(jnp.int32, logits.shape, 1)
    col = i * _BLK + r * (_BLK // 8) + c
    valid = col < vocab
    masked = jnp.where(valid, logits, -jnp.inf)
    m_old = acc_ref[0]
    m_new = jnp.maximum(m_old, jnp.max(masked))
    bsum = jnp.sum(jnp.where(valid, jnp.exp(logits - m_new), 0.0))
    acc_ref[1] = acc_ref[1] * jnp.exp(m_old - m_new) + bsum
    acc_ref[0] = m_new

    @pl.when(i == n_blk - 1)
    def _():
        norm_ref[0, 0] = acc_ref[0] + jnp.log(acc_ref[1])


def _sub_body(l_ref, norm_ref, o_ref):
    o_ref[...] = (l_ref[...] - norm_ref[0, 0]).reshape(1, _BLK)


def kernel(inputs, emb, W1, b1, W2, b2):
    vocab, hidden = W2.shape
    n_ctx = inputs.shape[0]
    n_blk = pl.cdiv(vocab, _BLK)
    npad = n_blk * _BLK
    embed_dim = emb.shape[1]

    idx = jnp.pad(inputs.astype(jnp.int32), (0, _GATHER_PAD - n_ctx))
    gathered = _sc_gather(emb, idx.reshape(1, _GATHER_PAD), n_ctx)

    b1r = b1.reshape(1, -1)
    b2d = jnp.pad(b2, (0, npad - vocab)).reshape(n_blk * 8, _BLK // 8)

    logits, norm = pl.pallas_call(
        functools.partial(_fwd_body, n_ctx, vocab, n_blk),
        grid=(n_blk,),
        in_specs=[
            pl.BlockSpec((_GATHER_PAD, embed_dim), lambda i: (0, 0)),
            pl.BlockSpec((hidden, embed_dim), lambda i: (0, 0)),
            pl.BlockSpec((1, hidden), lambda i: (0, 0)),
            pl.BlockSpec((_BLK, hidden), lambda i: (i, 0)),
            pl.BlockSpec((8, _BLK // 8), lambda i: (i, 0)),
        ],
        out_specs=[
            pl.BlockSpec((8, _BLK // 8), lambda i: (i, 0)),
            pl.BlockSpec((1, 1), lambda i: (0, 0), memory_space=pltpu.SMEM),
        ],
        out_shape=[
            jax.ShapeDtypeStruct((n_blk * 8, _BLK // 8), jnp.float32),
            jax.ShapeDtypeStruct((1, 1), jnp.float32),
        ],
        scratch_shapes=[
            pltpu.VMEM((1, hidden), jnp.float32),
            pltpu.SMEM((2,), jnp.float32),
        ],
        compiler_params=pltpu.CompilerParams(
            dimension_semantics=("arbitrary",)),
    )(gathered, W1, b1r, W2, b2d)

    out = pl.pallas_call(
        _sub_body,
        grid=(n_blk,),
        in_specs=[
            pl.BlockSpec((8, _BLK // 8), lambda i: (i, 0)),
            pl.BlockSpec((1, 1), lambda i: (0, 0), memory_space=pltpu.SMEM),
        ],
        out_specs=pl.BlockSpec((1, _BLK), lambda i: (0, i)),
        out_shape=jax.ShapeDtypeStruct((1, vocab), jnp.float32),
    )(logits, norm)

    return out

# --- scband reference (transcript-rebuilt; emitter-appended) ---
"""Pipeline reference for scband-cbow-53377853555164 (READ-ONLY COPY).

The authoritative reference and input builder live on the scoring server;
editing this copy changes nothing except your own understanding.
"""

import jax, jax.numpy as jnp
import numpy as np

VOCAB = 1000000
EMBED_DIM = 64
HIDDEN = 128
CTX_LEN = 200


def setup_inputs(seed: int = 0) -> dict:
    key = jax.random.key(seed)
    k_idx, k_emb, k_w1, k_b1, k_w2, k_b2 = jax.random.split(key, 6)
    inputs = jax.random.randint(k_idx, (CTX_LEN,), 0, VOCAB, dtype=jnp.int64 if jax.config.jax_enable_x64 else jnp.int32)
    emb = jax.random.normal(k_emb, (VOCAB, EMBED_DIM), dtype=jnp.float32) * 0.02
    W1 = jax.random.normal(k_w1, (HIDDEN, EMBED_DIM), dtype=jnp.float32) * (1.0 / np.sqrt(EMBED_DIM))
    b1 = jax.random.normal(k_b1, (HIDDEN,), dtype=jnp.float32) * 0.01
    W2 = jax.random.normal(k_w2, (VOCAB, HIDDEN), dtype=jnp.float32) * (1.0 / np.sqrt(HIDDEN))
    b2 = jax.random.normal(k_b2, (VOCAB,), dtype=jnp.float32) * 0.01
    return {"inputs": inputs, "emb": emb, "W1": W1, "b1": b1, "W2": W2, "b2": b2}


def reference(inputs, emb, W1, b1, W2, b2):
    # embeds = sum(self.embeddings(inputs)).view(1, -1)
    gathered = jnp.take(emb, inputs, axis=0)            # [CTX_LEN, EMBED_DIM]
    embeds = jnp.sum(gathered, axis=0).reshape(1, -1)   # [1, EMBED_DIM]
    # linear1 + ReLU
    out = embeds @ W1.T + b1                             # [1, 128]
    out = jax.nn.relu(out)
    # linear2 + LogSoftmax
    out = out @ W2.T + b2                                # [1, VOCAB]
    log_probs = jax.nn.log_softmax(out, axis=-1)
    return log_probs

if __name__ == "__main__":
    import jax
    _d = setup_inputs()
    print(jax.jit(kernel)(*tuple(_d.values())))

</pallas_src>

<mosaic_0001>
#map = affine_map<(d0) -> (0, 0)>
module attributes {stable_mosaic.version = 14 : i64} {
  func.func @gather_kernel(%arg0: i32, %arg1: memref<1000000x64xf32, #tpu.memory_space<hbm>>, %arg2: memref<1x256xi32, #tpu.memory_space<hbm>>, %arg3: memref<256x64xf32, #tpu.memory_space<hbm>>, %arg4: memref<1x256xi32, #tpu.memory_space<smem>>, %arg5: memref<!tpu.dma_semaphore, #tpu.memory_space<semaphore_mem>>, %arg6: memref<!tpu.dma_semaphore, #tpu.memory_space<semaphore_mem>>) attributes {dimension_semantics = [#tpu.dimension_semantics<core_parallel>], iteration_bounds = array<i64: 2>, scalar_prefetch = 0 : i64, scratch_operands = 3 : i64, tpu.core_type = #tpu.core_type<sc_scalar_subcore>, window_params = [{transform_indices = #map}, {transform_indices = #map}, {transform_indices = #map}]} {
    tpu.enqueue_dma source(%arg2 : memref<1x256xi32, #tpu.memory_space<hbm>>) target(%arg4 : memref<1x256xi32, #tpu.memory_space<smem>>) target_semaphore(%arg5 : memref<!tpu.dma_semaphore, #tpu.memory_space<semaphore_mem>>)
    tpu.wait_dma2 semaphore(%arg5 : memref<!tpu.dma_semaphore, #tpu.memory_space<semaphore_mem>>) src(%arg2 : memref<1x256xi32, #tpu.memory_space<hbm>>) dst(%arg4 : memref<1x256xi32, #tpu.memory_space<smem>>)
    %mul3A = arith.constant 100 : i32
    %mul3A_0 = arith.muli %arg0, %mul3A : i32
    %add3A = arith.constant 100 : i32
    %add3A_1 = arith.addi %mul3A_0, %add3A : i32
    %min3A = arith.constant 200 : i32
    %min3A_2 = arith.minsi %add3A_1, %min3A : i32
    %scan3A = arith.constant 0 : i32
    %scan3A_3 = arith.constant 100 : i32
    %scan3A_4 = arith.addi %scan3A, %scan3A_3 : i32
    %scan3A_5 = arith.constant 1 : i32
    scf.for %scan3A_12 = %scan3A to %scan3A_4 step %scan3A_5  : i32 {
      %mul3A_13 = arith.constant 1 : i32
      %mul3A_14 = arith.muli %scan3A_12, %mul3A_13 : i32
      %add3A_15 = arith.constant 0 : i32
      %add3A_16 = arith.addi %add3A_15, %mul3A_14 : i32
      %add3A_17 = arith.addi %mul3A_0, %add3A_16 : i32
      %lt3A = arith.cmpi slt, %add3A_17, %min3A_2 : i32
      %convert_element_type3A = arith.extui %lt3A : i1 to i32
      %cond3A = arith.constant 0 : i32
      %cond3A_18 = arith.cmpi ne, %convert_element_type3A, %cond3A : i32
      scf.if %cond3A_18 {
        %add3A_19 = arith.addi %mul3A_0, %add3A_16 : i32
        %get3A = arith.constant 0 : i32
        %get3A_20 = arith.index_cast %get3A : i32 to index
        %get3A_21 = arith.index_cast %add3A_19 : i32 to index
        %get3A_22 = memref.load %arg4[%get3A_20, %get3A_21] : memref<1x256xi32, #tpu.memory_space<smem>>
        %add3A_23 = arith.addi %mul3A_0, %add3A_16 : i32
        %dma_start3A = arith.constant 0 : i32
        %dma_start3A_24 = tpu.memref_slice %arg3[%add3A_23, %dma_start3A] : memref<256x64xf32, #tpu.memory_space<hbm>> -> memref<1x64xf32, #tpu.memory_space<hbm>>
        %dma_start3A_25 = tpu.memref_squeeze %dma_start3A_24 : memref<1x64xf32, #tpu.memory_space<hbm>> -> memref<64xf32, #tpu.memory_space<hbm>>
        %dma_start3A_26 = arith.constant 0 : i32
        %dma_start3A_27 = tpu.memref_slice %arg1[%get3A_22, %dma_start3A_26] : memref<1000000x64xf32, #tpu.memory_space<hbm>> -> memref<1x64xf32, #tpu.memory_space<hbm>>
        %dma_start3A_28 = tpu.memref_squeeze %dma_start3A_27 : memref<1x64xf32, #tpu.memory_space<hbm>> -> memref<64xf32, #tpu.memory_space<hbm>>
        tpu.enqueue_dma source(%dma_start3A_28 : memref<64xf32, #tpu.memory_space<hbm>>) target(%dma_start3A_25 : memref<64xf32, #tpu.memory_space<hbm>>) target_semaphore(%arg6 : memref<!tpu.dma_semaphore, #tpu.memory_space<semaphore_mem>>)
      } else {
      }
    }
    %scan3A_6 = arith.constant 100 : i32
    %scan3A_7 = arith.constant 0 : i32
    %scan3A_8 = arith.constant 100 : i32
    %scan3A_9 = arith.addi %scan3A_7, %scan3A_8 : i32
    %scan3A_10 = arith.constant 1 : i32
    scf.for %scan3A_12 = %scan3A_7 to %scan3A_9 step %scan3A_10  : i32 {
      %mul3A_13 = arith.constant 1 : i32
      %mul3A_14 = arith.muli %scan3A_12, %mul3A_13 : i32
      %add3A_15 = arith.constant 0 : i32
      %add3A_16 = arith.addi %add3A_15, %mul3A_14 : i32
      %add3A_17 = arith.addi %mul3A_0, %add3A_16 : i32
      %lt3A = arith.cmpi slt, %add3A_17, %min3A_2 : i32
      %convert_element_type3A = arith.extui %lt3A : i1 to i32
      %cond3A = arith.constant 0 : i32
      %cond3A_18 = arith.cmpi ne, %convert_element_type3A, %cond3A : i32
      scf.if %cond3A_18 {
        %add3A_19 = arith.addi %mul3A_0, %add3A_16 : i32
        %get3A = arith.constant 0 : i32
        %get3A_20 = arith.index_cast %get3A : i32 to index
        %get3A_21 = arith.index_cast %add3A_19 : i32 to index
        %get3A_22 = memref.load %arg4[%get3A_20, %get3A_21] : memref<1x256xi32, #tpu.memory_space<smem>>
        %add3A_23 = arith.addi %mul3A_0, %add3A_16 : i32
        %dma_wait3A = arith.constant 0 : i32
        %dma_wait3A_24 = tpu.memref_slice %arg3[%add3A_23, %dma_wait3A] : memref<256x64xf32, #tpu.memory_space<hbm>> -> memref<1x64xf32, #tpu.memory_space<hbm>>
        %dma_wait3A_25 = tpu.memref_squeeze %dma_wait3A_24 : memref<1x64xf32, #tpu.memory_space<hbm>> -> memref<64xf32, #tpu.memory_space<hbm>>
        %dma_wait3A_26 = arith.constant 0 : i32
        %dma_wait3A_27 = tpu.memref_slice %arg1[%get3A_22, %dma_wait3A_26] : memref<1000000x64xf32, #tpu.memory_space<hbm>> -> memref<1x64xf32, #tpu.memory_space<hbm>>
        %dma_wait3A_28 = tpu.memref_squeeze %dma_wait3A_27 : memref<1x64xf32, #tpu.memory_space<hbm>> -> memref<64xf32, #tpu.memory_space<hbm>>
        tpu.wait_dma2 semaphore(%arg6 : memref<!tpu.dma_semaphore, #tpu.memory_space<semaphore_mem>>) src(%dma_wait3A_28 : memref<64xf32, #tpu.memory_space<hbm>>) dst(%dma_wait3A_25 : memref<64xf32, #tpu.memory_space<hbm>>)
      } else {
      }
    }
    %scan3A_11 = arith.constant 100 : i32
    return
  }
}

module attributes {stable_mosaic.version = 14 : i64} {
  func.func @_fwd_body(%arg0: i32, %arg1: memref<256x64xf32, #tpu.memory_space<vmem>>, %arg2: memref<128x64xf32, #tpu.memory_space<vmem>>, %arg3: memref<1x128xf32, #tpu.memory_space<vmem>>, %arg4: memref<8192x128xf32, #tpu.memory_space<vmem>>, %arg5: memref<8x1024xf32, #tpu.memory_space<vmem>>, %arg6: memref<8x1024xf32, #tpu.memory_space<vmem>>, %arg7: memref<1x1xf32, #tpu.memory_space<smem>>, %arg8: memref<1x128xf32, #tpu.memory_space<vmem>>, %arg9: memref<2xf32, #tpu.memory_space<smem>>) attributes {dimension_semantics = [#tpu.dimension_semantics<arbitrary>], iteration_bounds = array<i64: 123>, scalar_prefetch = 0 : i64, scratch_operands = 2 : i64, tpu.core_type = #tpu.core_type<tc>, window_params = [{pipeline_mode = #tpu.pipeline_mode<synchronous>, transform_indices = @transform_0, window_bounds = array<i64: 256, 64>}, {pipeline_mode = #tpu.pipeline_mode<synchronous>, transform_indices = @transform_1, window_bounds = array<i64: 128, 64>}, {pipeline_mode = #tpu.pipeline_mode<synchronous>, transform_indices = @transform_2, window_bounds = array<i64: 1, 128>}, {transform_indices = @transform_3, window_bounds = array<i64: 8192, 128>}, {transform_indices = @transform_4, window_bounds = array<i64: 8, 1024>}, {transform_indices = @transform_5, window_bounds = array<i64: 8, 1024>}, {transform_indices = @transform_6, window_bounds = array<i64: 1, 1>}]} {
    %eq3A = arith.constant 0 : i32
    %eq3A_0 = arith.cmpi eq, %arg0, %eq3A : i32
    %convert_element_type3A = arith.extui %eq3A_0 : i1 to i32
    %cond3A = arith.constant 0 : i32
    %cond3A_1 = arith.cmpi ne, %convert_element_type3A, %cond3A : i32
    scf.if %cond3A_1 {
      %get3A_52 = arith.constant 0 : index
      %get3A_53 = arith.constant 0 : index
      %get3A_54 = vector.load %arg1[%get3A_52, %get3A_53] : memref<256x64xf32, #tpu.memory_space<vmem>>, vector<256x64xf32>
      %iota3A_55 = tpu.iota {dimensions = array<i32: 0>} : vector<256x64xi32>
      %lt3A_56 = arith.constant 200 : i32
      %lt3A_57 = vector.broadcast %lt3A_56 : i32 to vector<256x64xi32>
      %lt3A_58 = arith.cmpi slt, %iota3A_55, %lt3A_57 : vector<256x64xi32>
      %jit3A_59 = arith.constant 0.000000e+00 : f32
      %broadcast_in_dim3A_60 = vector.broadcast %jit3A_59 : f32 to vector<256x64xf32>
      %select_n3A_61 = arith.select %lt3A_58, %get3A_54, %broadcast_in_dim3A_60 : vector<256x64xi1>, vector<256x64xf32>
      %reduce_sum3A_62 = arith.constant dense<0.000000e+00> : vector<64xf32>
      %reduce_sum3A_63 = vector.multi_reduction <add>, %select_n3A_61, %reduce_sum3A_62 [0] : vector<256x64xf32> to vector<64xf32>
      %broadcast_in_dim3A_64 = vector.shape_cast %reduce_sum3A_63 : vector<64xf32> to vector<1x64xf32>
      %get3A_65 = arith.constant 0 : index
      %get3A_66 = arith.constant 0 : index
      %get3A_67 = vector.load %arg2[%get3A_65, %get3A_66] : memref<128x64xf32, #tpu.memory_space<vmem>>, vector<128x64xf32>
      %dot_general3A_68 = arith.constant dense<0.000000e+00> : vector<1x128xf32>
      %dot_general3A_69 = tpu.matmul %broadcast_in_dim3A_64, %get3A_67, %dot_general3A_68 {dimension_numbers = #tpu.dot_dimension_numbers<[1], [1], [0], [0], [0, 0, 1, 0], [], []>, transpose_lhs_hint = false} : vector<1x64xf32>, vector<128x64xf32>, vector<1x128xf32> -> vector<1x128xf32>
      %get3A_70 = arith.constant 0 : index
      %get3A_71 = arith.constant 0 : index
      %get3A_72 = vector.load %arg3[%get3A_70, %get3A_71] : memref<1x128xf32, #tpu.memory_space<vmem>>, vector<1x128xf32>
      %add3A_73 = arith.addf %dot_general3A_69, %get3A_72 : vector<1x128xf32>
      %max3A_74 = arith.constant 0.000000e+00 : f32
      %max3A_75 = vector.broadcast %max3A_74 : f32 to vector<1x128xf32>
      %max3A_76 = arith.maximumf %add3A_73, %max3A_75 : vector<1x128xf32>
      %swap3A_77 = arith.constant 0 : index
      %swap3A_78 = arith.constant 0 : index
      %swap3A_79 = vector.load %arg8[%swap3A_77, %swap3A_78] : memref<1x128xf32, #tpu.memory_space<vmem>>, vector<1x128xf32>
      tpu.vector_store %arg8[%swap3A_77, %swap3A_78], %max3A_76 {strides = array<i32>} : memref<1x128xf32, #tpu.memory_space<vmem>>, vector<1x128xf32>,
      %swap3A_80 = arith.constant 0xFF800000 : f32
      %swap3A_81 = arith.constant 0 : index
      %swap3A_82 = memref.load %arg9[%swap3A_81] : memref<2xf32, #tpu.memory_space<smem>>
      memref.store %swap3A_80, %arg9[%swap3A_81] : memref<2xf32, #tpu.memory_space<smem>>
      %swap3A_83 = arith.constant 0.000000e+00 : f32
      %swap3A_84 = arith.constant 1 : index
      %swap3A_85 = memref.load %arg9[%swap3A_84] : memref<2xf32, #tpu.memory_space<smem>>
      memref.store %swap3A_83, %arg9[%swap3A_84] : memref<2xf32, #tpu.memory_space<smem>>
    } else {
    }
    %get3A = arith.constant 0 : index
    %get3A_2 = arith.constant 0 : index
    %get3A_3 = vector.load %arg8[%get3A, %get3A_2] : memref<1x128xf32, #tpu.memory_space<vmem>>, vector<1x128xf32>
    %get3A_4 = arith.constant 0 : index
    %get3A_5 = arith.constant 0 : index
    %get3A_6 = vector.load %arg4[%get3A_4, %get3A_5] : memref<8192x128xf32, #tpu.memory_space<vmem>>, vector<8192x128xf32>
    %dot_general3A = arith.constant dense<0.000000e+00> : vector<1x8192xf32>
    %dot_general3A_7 = tpu.matmul %get3A_3, %get3A_6, %dot_general3A {dimension_numbers = #tpu.dot_dimension_numbers<[1], [1], [0], [0], [0, 0, 1, 0], [], []>, transpose_lhs_hint = false} : vector<1x128xf32>, vector<8192x128xf32>, vector<1x8192xf32> -> vector<1x8192xf32>
    %reshape3A = vector.shape_cast %dot_general3A_7 : vector<1x8192xf32> to vector<8x1024xf32>
    %get3A_8 = arith.constant 0 : index
    %get3A_9 = arith.constant 0 : index
    %get3A_10 = vector.load %arg5[%get3A_8, %get3A_9] : memref<8x1024xf32, #tpu.memory_space<vmem>>, vector<8x1024xf32>
    %add3A = arith.addf %reshape3A, %get3A_10 : vector<8x1024xf32>
    %swap3A = arith.constant 0 : index
    %swap3A_11 = arith.constant 0 : index
    %swap3A_12 = vector.load %arg6[%swap3A, %swap3A_11] : memref<8x1024xf32, #tpu.memory_space<vmem>>, vector<8x1024xf32>
    tpu.vector_store %arg6[%swap3A, %swap3A_11], %add3A {strides = array<i32>} : memref<8x1024xf32, #tpu.memory_space<vmem>>, vector<8x1024xf32>,
    %iota3A = tpu.iota {dimensions = array<i32: 0>} : vector<8x1024xi32>
    %iota3A_13 = tpu.iota {dimensions = array<i32: 1>} : vector<8x1024xi32>
    %mul3A = arith.constant 8192 : i32
    %mul3A_14 = arith.muli %arg0, %mul3A : i32
    %mul3A_15 = arith.constant 1024 : i32
    %mul3A_16 = vector.broadcast %mul3A_15 : i32 to vector<8x1024xi32>
    %mul3A_17 = arith.muli %iota3A, %mul3A_16 : vector<8x1024xi32>
    %add3A_18 = vector.broadcast %mul3A_14 : i32 to vector<8x1024xi32>
    %add3A_19 = arith.addi %add3A_18, %mul3A_17 : vector<8x1024xi32>
    %add3A_20 = arith.addi %add3A_19, %iota3A_13 : vector<8x1024xi32>
    %lt3A = arith.constant 1000000 : i32
    %lt3A_21 = vector.broadcast %lt3A : i32 to vector<8x1024xi32>
    %lt3A_22 = arith.cmpi slt, %add3A_20, %lt3A_21 : vector<8x1024xi32>
    %jit3A = arith.constant 0xFF800000 : f32
    %broadcast_in_dim3A = vector.broadcast %jit3A : f32 to vector<8x1024xf32>
    %select_n3A = arith.select %lt3A_22, %add3A, %broadcast_in_dim3A : vector<8x1024xi1>, vector<8x1024xf32>
    %get3A_23 = arith.constant 0 : index
    %get3A_24 = memref.load %arg9[%get3A_23] : memref<2xf32, #tpu.memory_space<smem>>
    %reduce_max3A = vector.shape_cast %select_n3A : vector<8x1024xf32> to vector<1x8x1024xf32>
    %reduce_max3A_25 = arith.constant dense<0xFF800000> : vector<1xf32>
    %reduce_max3A_26 = vector.multi_reduction <maximumf>, %reduce_max3A, %reduce_max3A_25 [1, 2] : vector<1x8x1024xf32> to vector<1xf32>
    %reduce_max3A_27 = vector.shape_cast %reduce_max3A_26 : vector<1xf32> to vector<1x1x1xf32>
    %reduce_max3A_28 = vector.extract %reduce_max3A_27[0, 0, 0] : f32 from vector<1x1x1xf32>
    %max3A = arith.maximumf %get3A_24, %reduce_max3A_28 : f32
    %sub3A = vector.broadcast %max3A : f32 to vector<8x1024xf32>
    %sub3A_29 = arith.subf %add3A, %sub3A : vector<8x1024xf32>
    %exp3A = math.exp %sub3A_29 : vector<8x1024xf32>
    %jit3A_30 = arith.constant 0.000000e+00 : f32
    %broadcast_in_dim3A_31 = vector.broadcast %jit3A_30 : f32 to vector<8x1024xf32>
    %select_n3A_32 = arith.select %lt3A_22, %exp3A, %broadcast_in_dim3A_31 : vector<8x1024xi1>, vector<8x1024xf32>
    %reduce_sum3A = vector.shape_cast %select_n3A_32 : vector<8x1024xf32> to vector<1x8x1024xf32>
    %reduce_sum3A_33 = arith.constant dense<0.000000e+00> : vector<1xf32>
    %reduce_sum3A_34 = vector.multi_reduction <add>, %reduce_sum3A, %reduce_sum3A_33 [1, 2] : vector<1x8x1024xf32> to vector<1xf32>
    %reduce_sum3A_35 = vector.shape_cast %reduce_sum3A_34 : vector<1xf32> to vector<1x1x1xf32>
    %reduce_sum3A_36 = vector.extract %reduce_sum3A_35[0, 0, 0] : f32 from vector<1x1x1xf32>
    %get3A_37 = arith.constant 1 : index
    %get3A_38 = memref.load %arg9[%get3A_37] : memref<2xf32, #tpu.memory_space<smem>>
    %sub3A_39 = arith.subf %get3A_24, %max3A : f32
    %exp3A_40 = math.exp %sub3A_39 : f32
    %mul3A_41 = arith.mulf %get3A_38, %exp3A_40 : f32
    %add3A_42 = arith.addf %mul3A_41, %reduce_sum3A_36 : f32
    %swap3A_43 = arith.constant 1 : index
    %swap3A_44 = memref.load %arg9[%swap3A_43] : memref<2xf32, #tpu.memory_space<smem>>
    memref.store %add3A_42, %arg9[%swap3A_43] : memref<2xf32, #tpu.memory_space<smem>>
    %swap3A_45 = arith.constant 0 : index
    %swap3A_46 = memref.load %arg9[%swap3A_45] : memref<2xf32, #tpu.memory_space<smem>>
    memref.store %max3A, %arg9[%swap3A_45] : memref<2xf32, #tpu.memory_space<smem>>
    %eq3A_47 = arith.constant 122 : i32
    %eq3A_48 = arith.cmpi eq, %arg0, %eq3A_47 : i32
    %convert_element_type3A_49 = arith.extui %eq3A_48 : i1 to i32
    %cond3A_50 = arith.constant 0 : i32
    %cond3A_51 = arith.cmpi ne, %convert_element_type3A_49, %cond3A_50 : i32
    scf.if %cond3A_51 {
      %get3A_52 = arith.constant 0 : index
      %get3A_53 = memref.load %arg9[%get3A_52] : memref<2xf32, #tpu.memory_space<smem>>
      %get3A_54 = arith.constant 1 : index
      %get3A_55 = memref.load %arg9[%get3A_54] : memref<2xf32, #tpu.memory_space<smem>>
      %log3A = math.log %get3A_55 : f32
      %add3A_56 = arith.addf %get3A_53, %log3A : f32
      %swap3A_57 = arith.constant 0 : index
      %swap3A_58 = arith.constant 0 : index
      %swap3A_59 = memref.load %arg7[%swap3A_57, %swap3A_58] : memref<1x1xf32, #tpu.memory_space<smem>>
      memref.store %add3A_56, %arg7[%swap3A_57, %swap3A_58] : memref<1x1xf32, #tpu.memory_space<smem>>
    } else {
    }
    return
  }
  func.func @transform_0(%arg0: i32) -> (i32, i32) {
    %c0_i32 = arith.constant 0 : i32
    %c0_i32_0 = arith.constant 0 : i32
    %c0_i32_1 = arith.constant 0 : i32
    return %c0_i32, %c0_i32_0 : i32, i32
  }
  func.func @transform_1(%arg0: i32) -> (i32, i32) {
    %c0_i32 = arith.constant 0 : i32
    %c0_i32_0 = arith.constant 0 : i32
    %c0_i32_1 = arith.constant 0 : i32
    return %c0_i32, %c0_i32_0 : i32, i32
  }
  func.func @transform_2(%arg0: i32) -> (i32, i32) {
    %c0_i32 = arith.constant 0 : i32
    %c0_i32_0 = arith.constant 0 : i32
    %c0_i32_1 = arith.constant 0 : i32
    return %c0_i32, %c0_i32_0 : i32, i32
  }
  func.func @transform_3(%arg0: i32) -> (i32, i32) {
    %c0_i32 = arith.constant 0 : i32
    %c0_i32_0 = arith.constant 0 : i32
    return %arg0, %c0_i32 : i32, i32
  }
  func.func @transform_4(%arg0: i32) -> (i32, i32) {
    %c0_i32 = arith.constant 0 : i32
    %c0_i32_0 = arith.constant 0 : i32
    return %arg0, %c0_i32 : i32, i32
  }
  func.func @transform_5(%arg0: i32) -> (i32, i32) {
    %c0_i32 = arith.constant 0 : i32
    %c0_i32_0 = arith.constant 0 : i32
    return %arg0, %c0_i32 : i32, i32
  }
  func.func @transform_6(%arg0: i32) -> (i32, i32) {
    %c0_i32 = arith.constant 0 : i32
    %c0_i32_0 = arith.constant 0 : i32
    %c0_i32_1 = arith.constant 0 : i32
    return %c0_i32, %c0_i32_0 : i32, i32
  }
}

module attributes {stable_mosaic.version = 14 : i64} {
  func.func @_sub_body(%arg0: i32, %arg1: memref<8x1024xf32, #tpu.memory_space<vmem>>, %arg2: memref<1x1xf32, #tpu.memory_space<smem>>, %arg3: memref<1x8192xf32, #tpu.memory_space<vmem>>) attributes {dimension_semantics = [#tpu.dimension_semantics<arbitrary>], iteration_bounds = array<i64: 123>, scalar_prefetch = 0 : i64, scratch_operands = 0 : i64, tpu.core_type = #tpu.core_type<tc>, window_params = [{transform_indices = @transform_0, window_bounds = array<i64: 8, 1024>}, {transform_indices = @transform_1, window_bounds = array<i64: 1, 1>}, {transform_indices = @transform_2, window_bounds = array<i64: 1, 8192>}]} {
    %get3A = arith.constant 0 : index
    %get3A_0 = arith.constant 0 : index
    %get3A_1 = vector.load %arg1[%get3A, %get3A_0] : memref<8x1024xf32, #tpu.memory_space<vmem>>, vector<8x1024xf32>
    %get3A_2 = arith.constant 0 : index
    %get3A_3 = arith.constant 0 : index
    %get3A_4 = memref.load %arg2[%get3A_2, %get3A_3] : memref<1x1xf32, #tpu.memory_space<smem>>
    %sub3A = vector.broadcast %get3A_4 : f32 to vector<8x1024xf32>
    %sub3A_5 = arith.subf %get3A_1, %sub3A : vector<8x1024xf32>
    %reshape3A = vector.shape_cast %sub3A_5 : vector<8x1024xf32> to vector<1x8192xf32>
    %swap3A = arith.constant 0 : index
    %swap3A_6 = arith.constant 0 : index
    %swap3A_7 = vector.load %arg3[%swap3A, %swap3A_6] : memref<1x8192xf32, #tpu.memory_space<vmem>>, vector<1x8192xf32>
    tpu.vector_store %arg3[%swap3A, %swap3A_6], %reshape3A {strides = array<i32>} : memref<1x8192xf32, #tpu.memory_space<vmem>>, vector<1x8192xf32>,
    return
  }
  func.func @transform_0(%arg0: i32) -> (i32, i32) {
    %c0_i32 = arith.constant 0 : i32
    %c0_i32_0 = arith.constant 0 : i32
    return %arg0, %c0_i32 : i32, i32
  }
  func.func @transform_1(%arg0: i32) -> (i32, i32) {
    %c0_i32 = arith.constant 0 : i32
    %c0_i32_0 = arith.constant 0 : i32
    %c0_i32_1 = arith.constant 0 : i32
    return %c0_i32, %c0_i32_0 : i32, i32
  }
  func.func @transform_2(%arg0: i32) -> (i32, i32) {
    %c0_i32 = arith.constant 0 : i32
    %c0_i32_0 = arith.constant 0 : i32
    return %c0_i32, %arg0 : i32, i32
  }
}

</mosaic_0001>

<sc_bundles>
// kernel: kernel.5.cloned.1.call-start
scs
__scs_entry_jumppad:
0x0: {  	(pc) =	sbr.rel $0x88, $3  }
0x1: {  	(tag) =	ssettag $0x0;
	lr =	simm.s32 $0x1  }
0x2: {  	[smem:$0x3F9B] =	sst lr;
	_ =	strace $0xD0000000  }
0x3: {  	_ = 	snop  }
0x4: {  	_ = 	snop  }
0x5: {  	_ = 	snop  }
0x6: {  	_ = 	snop  }
0x7: {  	_ = 	snop  }
__scs_overlays_trampoline_lowered:
0x8: {  	[smem:$0x3FAA] =	sst s0  }
0x9: {  	[smem:$0x3FAB] =	sst s1  }
0xa: {  	[smem:$0x3FAC] =	sst s2  }
0xb: {  	[smem:$0x3FAD] =	sst s3  }
0xc: {  	[smem:$0x3FAE] =	sst s4  }
0xd: {  	[smem:$0x3FAF] =	sst s5  }
0xe: {  	[smem:$0x3FB0] =	sst s6  }
0xf: {  	[smem:$0x3FB1] =	sst s7  }
0x10: {  	[smem:$0x3FB2] =	sst s8  }
0x11: {  	[smem:$0x3FB3] =	sst s9;
	s0 =	simm.s32 @!p0 $0x0  }
0x12: {  	s1 =	sld [smem:$0x3F99];
	s0 =	simm.s32 @p0 $0x1  }
0x13: {  	[smem:$0x3FB4] =	sst s0;
	s0 =	simm.s32 @!p1 $0x0  }
0x14: {  	s2 =	sld [smem:$0x3F98];
	s0 =	simm.s32 @p1 $0x1  }
0x15: {  	[smem:$0x3FB5] =	sst s0;
	s0 =	simm.s32 @!p2 $0x0  }
0x16: {  	s3 =	sld [smem:$0x3FDB];
	s0 =	simm.s32 @p2 $0x1  }
0x17: {  	s4 =	simm.s32 $0x1BF5;
	[smem:$0x3FB7] =	sst s0  }
0x18: {  	s0 =	sld [smem:$0x3F9A];
	_ =	swait.ge [sflag:s4], $0x0  }
0x19: {  	s7 =	sld [smem:$0x3F9B]  }
0x1a: {  	s8 =	sadd.s32 $0xFFFFE003, lr  }
0x1b: {  	s9 =	sadd.s32 $0xFFFFFEF7, lr;
	s5 =	simm.s32 $0xFFFFFFFF;
	p2 =	slt.u32 s8, $0xFFFFF086  }
0x1c: {  	p1 =	slt.u32 s9, $0xF7A;
	s5 =	simm.s32 @!p2 $0x0  }
0x1d: {  	s5 =	simm.s32 @p1 $0x1;
	p0 =	seq.s32 s7, s2  }
0x1e: {  	s7 =	smul.u32 @!p0 $0xF7A, s2;
	p2 =	seq.s32 @!p0 s5, $0x0  }
0x1f: {  	s9 =	smul.u32 $0xF7A, s1;
	s8 =	simm.s32 @!p0 $0x1BF5;
	p2 =	por !p2, p0  }
0x20: {  	[sflag:s8] =	ssyncset.s32 @!p0 $0xFFFFF086;
	s6 =	sadd.s32 @!p0 s3, s7;
	s7 =	simm.s32 @!p0 $0x108  }
0x21: {  	s3 =	sadd.s32 s3, s9;
	s6 =	sadd.s32 @!p0 $0x88, s6;
	s7 =	simm.s32 @p2 $0x1082  }
0x22: {  	[simem:s7], [sflag:s8] =	dma.local @!p0 [hbm:s6], $0xF7A  }
0x23: {  	s9 =	sor.u32 $0xD0000000, s2;
	s6 =	simm.s32 $0x108;
	_ =	swait.ge @!p0 [sflag:s8], $0x0  }
0x24: {  	s3 =	sadd.s32 $0x88, s3;
	s6 =	simm.s32 @!p1 $0x1082;
	[sflag:s4] =	ssyncset.s32 $0xFFFFF086  }
0x25: {  	[simem:s6], [sflag:s4] =	dma.local [hbm:s3], $0xF7A  }
0x26: {  	[smem:$0x3F9B] =	sst s1;
	(tag) =	ssettag s2;
	_ =	strace s9  }
0x27: {  	s1 =	sld [smem:$0x3FAB]  }
0x28: {  	s2 =	sld [smem:$0x3FAC]  }
0x29: {  	s4 =	sld [smem:$0x3FAE]  }
0x2a: {  	p0 =	seq.s32 s5, $0x0;
	s5 =	sld [smem:$0x3FAF]  }
0x2b: {  	s6 =	sld [smem:$0x3FB0]  }
0x2c: {  	s7 =	sld [smem:$0x3FB1]  }
0x2d: {  	s3 =	simm.s32 $0x108;
	s8 =	sld [smem:$0x3FB2]  }
0x2e: {  	s3 =	simm.s32 @!p0 $0x1082;
	s9 =	sld [smem:$0x3FB3]  }
0x2f: {  	lr =	sadd.s32 s0, s3;
	s0 =	sld [smem:$0x3FAA]  }
0x30: {  	s3 =	sld [smem:$0x3FAD]  }
0x31: {  	[smem:$0x3FB6] =	sst s10  }
0x32: {  	s10 =	sld [smem:$0x3FB4];
	_ =	sdelay $0x3  }
0x33: {  	p0 =	seq.s32 s10, $0x1;
	s10 =	sld [smem:$0x3FB6];
	_ =	sdelay $0x3  }
0x34: {  	[smem:$0x3FB6] =	sst s10  }
0x35: {  	s10 =	sld [smem:$0x3FB5];
	_ =	sdelay $0x3  }
0x36: {  	p1 =	seq.s32 s10, $0x1;
	s10 =	sld [smem:$0x3FB6];
	_ =	sdelay $0x3  }
0x37: {  	[smem:$0x3FB6] =	sst s10  }
0x38: {  	s10 =	sld [smem:$0x3FB7]  }
0x39: {  	_ = 	snop;
	(pc) =	sbr.ind lr, $3  }
0x3a: {  	_ = 	snop  }
0x3b: {  	_ = 	snop  }
0x3c: {  	p2 =	seq.s32 s10, $0x1;
	s10 =	sld [smem:$0x3FB6]  }
0x3d: {  	_ =	shalt  }
0x3e: {  	_ =	shalt  }
0x3f: {  	_ =	shalt  }
0x40: {  	_ =	shalt  }
0x41: {  	_ =	shalt  }
0x42: {  	_ =	shalt  }
0x43: {  	_ =	shalt  }
0x44: {  	_ =	shalt  }
0x45: {  	_ =	shalt  }
0x46: {  	_ =	shalt  }
0x47: {  	_ =	shalt  }
0x48: {  	_ =	shalt  }
0x49: {  	_ =	shalt  }
0x4a: {  	_ =	shalt  }
0x4b: {  	_ =	shalt  }
0x4c: {  	_ =	shalt  }
0x4d: {  	_ =	shalt  }
0x4e: {  	_ =	shalt  }
0x4f: {  	_ =	shalt  }
0x50: {  	_ =	shalt  }
0x51: {  	_ =	shalt  }
0x52: {  	_ =	shalt  }
0x53: {  	_ =	shalt  }
0x54: {  	_ =	shalt  }
0x55: {  	_ =	shalt  }
0x56: {  	_ =	shalt  }
0x57: {  	_ =	shalt  }
0x58: {  	_ =	shalt  }
0x59: {  	_ =	shalt  }
0x5a: {  	_ =	shalt  }
0x5b: {  	_ =	shalt  }
0x5c: {  	_ =	shalt  }
0x5d: {  	_ =	shalt  }
0x5e: {  	_ =	shalt  }
0x5f: {  	_ =	shalt  }
0x60: {  	_ =	shalt  }
0x61: {  	_ =	shalt  }
0x62: {  	_ =	shalt  }
0x63: {  	_ =	shalt  }
0x64: {  	_ =	shalt  }
0x65: {  	_ =	shalt  }
0x66: {  	_ =	shalt  }
0x67: {  	_ =	shalt  }
0x68: {  	_ =	shalt  }
0x69: {  	_ =	shalt  }
0x6a: {  	_ =	shalt  }
0x6b: {  	_ =	shalt  }
0x6c: {  	_ =	shalt  }
0x6d: {  	_ =	shalt  }
0x6e: {  	_ =	shalt  }
0x6f: {  	_ =	shalt  }
0x70: {  	_ =	shalt  }
0x71: {  	_ =	shalt  }
0x72: {  	_ =	shalt  }
0x73: {  	_ =	shalt  }
0x74: {  	_ =	shalt  }
0x75: {  	_ =	shalt  }
0x76: {  	_ =	shalt  }
0x77: {  	_ =	shalt  }
0x78: {  	_ =	shalt  }
0x79: {  	_ =	shalt  }
0x7a: {  	_ =	shalt  }
0x7b: {  	_ =	shalt  }
0x7c: {  	_ =	shalt  }
0x7d: {  	_ =	shalt  }
0x7e: {  	_ =	shalt  }
0x7f: {  	_ =	shalt  }
0x80: {  	_ =	shalt  }
0x81: {  	_ =	shalt  }
0x82: {  	_ =	shalt  }
0x83: {  	_ =	shalt  }
0x84: {  	_ =	shalt  }
0x85: {  	_ =	shalt  }
0x86: {  	_ =	shalt  }
0x87: {  	_ =	shalt  }
.Lfunc_end0:
.L_simem_size_0:
called_computation_lowered:
.L_overlay_start_0:
0x88: {  	s2 =	sld [smem:$0x3FD9]  }
0x89: {  	s3 =	sld [smem:$0x3FFE];
	_ =	sdelay $0x1  }
0x8a: {  	s1 =	srdreg.scid  }
0x8b: {  	s0 =	sand.u32 $0x1, s1  }
0x8c: {  	s19 =	sshll.u32 s0, $0xA;
	s2 =	sadd.s32 s3, s2  }
0x8d: {  	s2 =	sadd.s32 s2, s19  }
0x8e: {  	s20 =	simm.s32 $0x0;
	[smem:$0x3FC2] =	sst s2  }
0x8f: {  	[smem:$0xF] =	sst s20  }
0x90: {  	s4 =	sld [smem:$0x3FD0];
	(tm) =	ssettm $0x1  }
0x91: {  	s21 =	sld [smem:$0x3FFB];
	_ =	sdelay $0x3  }
0x92: {  	_ =	strace s21  }
0x93: {  	s2 =	sld [smem:$0x3FFC];
	_ =	sdelay $0x3  }
0x94: {  	_ =	strace s2  }
0x95: {  	s2 =	sld [smem:$0x3FFD];
	_ =	sdelay $0x3  }
0x96: {  	_ =	strace s2  }
0x97: {  	s22 =	simm.s32 $0x1B8B;
	_ =	strace $0x8FFFFFFF  }
0x98: {  	_ =	swait.ge [sflag:s22], $0x1  }
0x99: {  	s23 =	sld [smem:$0x3FFE]  }
0x9a: {  	[sflag:s22] =	ssyncset.done $0x0  }
0x9b: {  	s24 =	simm.s32 $0x1B8E;
	[sflag:s22] =	ssyncadd.s32 $0xFFFFFFFF  }
0x9c: {  	s5 =	simm.s32 $0x9;
	s26 =	smul.u32 $0x190, s0;
	[smem:$0x3FD2] =	sst s24  }
0x9d: {  	s6 =	simm.s32 $0x10;
	_ =	strace $0x80000046;
	s25 =	sadd.s32 $0xF43400, s23  }
0x9e: {  	[smem:s6], [sflag:s5] =	dma.local [hbm:s25], $0x20  }
0x9f: {  	_ =	swait.ge [sflag:s5], $0x20  }
0xa0: {  	s2 =	sshrl.u32 s26, $0x2;
	[sflag:s5] =	ssyncset.done $0x0  }
0xa1: {  	s28 =	simm.s32 $0x0;
	s2 =	sadd.s32 $0x10, s2;
	[sflag:s5] =	ssyncadd.s32 $0xFFFFFFE0  }
0xa2: {  	s5 =	sld [smem:s2+s28];
	_ =	sdelay $0x3  }
0xa3: {  	s29 =	smul.u32 $0x640, s0;
	s5 =	sshll.u32 s5, $0x4  }
0xa4: {  	s31 =	simm.s32 $0x1;
	s3 =	sadd.s32 $0x1000, s23;
	s7 =	sand.u32 $0x1FFFFFF0, s5  }
0xa5: {  	s5 =	sadd.s32 s29, s4;
	s4 =	simm.s32 $0xA;
	s30 =	sadd.s32 s3, s7  }
0xa6: {  	[hbm:s5], [sflag:s4] =	dma.local [hbm:s30], $0x10  }
0xa7: {  	s6 =	simm.s32 $0x8;
	s7 =	sld [smem:s2+s31]  }
.LBB1_1:
0xa8: {  	p0 =	sne.s32 s6, $0x18C;
	_ =	sdelay $0x2  }
0xa9: {  	s7 =	sshll.u32 s7, $0x4  }
.Ltmp0:
0xaa: {  	s7 =	sand.u32 $0x1FFFFFF0, s7;
	(pc) =	sbr.rel @p0 .LBB1_1-.Ltmp0, $3  }
0xab: {  	s8 =	sshra.s32 s6, $0x2;
	s5 =	sadd.s32 $0x10, s5;
	s7 =	sadd.s32 s3, s7  }
0xac: {  	[hbm:s5], [sflag:s4] =	dma.local [hbm:s7], $0x10  }
0xad: {  	s6 =	sadd.s32 $0x4, s6;
	s7 =	sld [smem:s2+s8]  }
0xae: {  	_ =	sdelay $0x2  }
0xaf: {  	s2 =	sshll.u32 s7, $0x4  }
0xb0: {  	s2 =	sand.u32 $0x1FFFFFF0, s2  }
0xb1: {  	s31 =	sadd.s32 $0x10, s5;
	s2 =	sadd.s32 s3, s2  }
0xb2: {  	[hbm:s31], [sflag:s4] =	dma.local [hbm:s2], $0x10  }
0xb3: {  	s2 =	simm.s32 $0xA  }
0xb4: {  	_ =	swait.ge [sflag:s2], $0x10  }
0xb5: {  	s3 =	simm.s32 $0x63;
	[sflag:s2] =	ssyncset.done $0x0  }
.LBB1_3:
0xb6: {  	p0 =	sne.s32 s3, $0x1;
	s3 =	sadd.s32 $0xFFFFFFFF, s3;
	[sflag:s2] =	ssyncadd.s32 $0xFFFFFFF0  }
.Ltmp1:
0xb7: {  	(pc) =	sbr.rel @p0 .LBB1_3-.Ltmp1, $3  }
0xb8: {  	_ = 	snop  }
0xb9: {  	_ =	swait.ge [sflag:s2], $0x10  }
0xba: {  	[sflag:s2] =	ssyncset.done $0x0  }
0xbb: {  	[sflag:s2] =	ssyncadd.s32 $0xFFFFFFF0  }
0xbc: {  	_ =	strace $0x90000046  }
0xbd: {  	_ =	sfence  }
0xbe: {  	s30 =	sld [smem:$0x0];
	_ =	sdelay $0x2  }
0xbf: {  	s3 =	sshll.u32 s1, $0xD;
	s31 =	sshrl.u32 s1, $0x2  }
0xc0: {  	s3 =	sand.u32 $0x4000, s3;
	s1 =	sadd.s32 s31, s30  }
0xc1: {  	s0 =	sor.u32 s3, s0;
	s1 =	sshll.u32 s1, $0x11  }
0xc2: {  	s0 =	sor.u32 s1, s0  }
0xc3: {  	s0 =	sadd.s32 $0x8F2B, s0;
	(pc) =	sbr.abs _section_cstart, $3  }
0xc4: {  	[sflag:s0] =	ssyncadd.remote.s32 $0x1  }
0xc5: {  	_ =	strace $0x9FFFFFFF  }
0xc6: {  	(tm) =	ssettm $0x7FFFFFFF  }
0xc7: {  	_ =	shalt  }

</sc_bundles>
